<compile_context>
chip_gen: v7x
topology: tpu7x:2x2x1
jax: 0.10.2.dev20260603
libtpu: 0.0.44.dev20260713+nightly
codegen_flags: <defaults>
</compile_context>

<pallas_src>
import functools

import jax
import jax.numpy as jnp
from jax import lax
from jax.experimental import pallas as pl
from jax.experimental.pallas import tpu as pltpu
from jax.experimental.pallas import tpu_sc as plsc

_CTX = 8192
_B = 4
_L = 2048
_E = 2048
_NC, _NS = 2, 16
_NW = _NC * _NS
_RPW = (_B * _L) // _NW
_WPB = _L // _RPW
_CH = 16
_NCH = _RPW // _CH
_NBUF = 3


def _pe_slice_body(starts_hbm, pe_hbm, out_hbm, s_v, buf_v, in_sems, out_sems):
    wid = lax.axis_index("s") * _NC + lax.axis_index("c")
    b = wid // _WPB
    part = wid % _WPB
    row0 = part * _RPW

    pltpu.sync_copy(starts_hbm.at[pl.ds(b * 16, 16)], s_v)
    start = jnp.min(s_v[...])
    start = jnp.minimum(jnp.maximum(start, 0), _CTX - _L)
    lane = lax.iota(jnp.int32, 16)

    def in_copy_gather(i, slot):
        idx = lane + (start + row0 + i * _CH)
        return pltpu.make_async_copy(
            pe_hbm.at[idx],
            buf_v.at[slot],
            in_sems.at[slot],
        )

    def in_copy_linear(i, slot):
        a = pl.multiple_of(start + row0 + i * _CH, 8)
        return pltpu.make_async_copy(
            pe_hbm.at[pl.ds(a, _CH), :],
            buf_v.at[slot],
            in_sems.at[slot],
        )

    def out_copy(i, slot):
        r = pl.multiple_of(row0 + i * _CH, 8)
        return pltpu.make_async_copy(
            buf_v.at[slot],
            out_hbm.at[b, pl.ds(r, _CH), :],
            out_sems.at[slot],
        )

    aligned = lax.rem(start, 8) == 0

    def in_start(i, slot):
        @pl.when(aligned)
        def _():
            in_copy_linear(i, slot).start()

        @pl.when(jnp.logical_not(aligned))
        def _():
            in_copy_gather(i, slot).start()

    def in_wait(i, slot):
        in_copy_linear(i, slot).wait()

    in_start(0, 0)
    in_start(1, 1)

    def step(i, carry):
        nxt = i + _NBUF - 1

        @pl.when(nxt < _NCH)
        def _():
            @pl.when(nxt - _NBUF >= 0)
            def _():
                out_copy(nxt - _NBUF, lax.rem(nxt - _NBUF, _NBUF)).wait()
            in_start(nxt, lax.rem(nxt, _NBUF))

        slot = lax.rem(i, _NBUF)
        in_wait(i, slot)
        out_copy(i, slot).start()
        return carry

    lax.fori_loop(0, _NCH, step, 0)
    for i in range(_NCH - _NBUF, _NCH):
        out_copy(i, i % _NBUF).wait()


@functools.partial(jax.jit, static_argnums=())
def _pe_slice(starts, pe):
    mesh = plsc.VectorSubcoreMesh(
        core_axis_name="c", subcore_axis_name="s",
        num_cores=_NC, num_subcores=_NS,
    )
    return pl.kernel(
        _pe_slice_body,
        out_type=jax.ShapeDtypeStruct((_B, _L, _E), jnp.float32),
        mesh=mesh,
        compiler_params=pltpu.CompilerParams(
            use_tc_tiling_on_sc=True, needs_layout_passes=False,
            disable_bounds_checks=True, disable_semaphore_checks=True,
            skip_device_barrier=True),
        scratch_types=[
            pltpu.VMEM((16,), jnp.int32),
            pltpu.VMEM((_NBUF, _CH, _E), jnp.float32),
            pltpu.SemaphoreType.DMA((_NBUF,)),
            pltpu.SemaphoreType.DMA((_NBUF,)),
        ],
    )(starts, pe)


def kernel(x, pe):
    starts = jnp.repeat(x[:, 0].astype(jnp.int32), 16)
    return _pe_slice(starts, pe.astype(jnp.float32))

# --- scband reference (transcript-rebuilt; emitter-appended) ---
"""Pipeline reference for scband-absolute-pe-73693048865052 (READ-ONLY COPY).

The authoritative reference and input builder live on the scoring server;
editing this copy changes nothing except your own understanding.
"""

import jax, jax.numpy as jnp
import numpy as np

CONTEXT_LENGTH = 8192
EMBEDDING_DIM = 2048
B, L = 4, 2048


def _build_pe(context_length, embedding_dim):
    if embedding_dim % 2 != 0:
        embedding_dim += 1
    d_model = embedding_dim // 2
    scale = 1.0 / (10000.0 ** (2.0 / d_model))
    freqs = (jnp.ones((d_model,), dtype=jnp.float32) * scale) ** jnp.arange(d_model, dtype=jnp.float32)
    freqs = jnp.broadcast_to(freqs, (context_length, d_model))
    pos = jnp.arange(context_length, dtype=jnp.float32)[:, None]
    sin = jnp.sin(pos * freqs).reshape(-1)
    cos = jnp.cos(pos * freqs).reshape(-1)
    sinusoids = jnp.stack((sin, cos))
    return sinusoids.T.reshape(context_length, embedding_dim)


def setup_inputs() -> dict:
    # each batch row holds consecutive position ids so every slice has equal length
    x = jnp.arange(B * L).reshape(B, L)
    pe = _build_pe(CONTEXT_LENGTH, EMBEDDING_DIM)
    return {"x": x, "pe": pe}


def reference(x, pe):
    # Faithful translation: per-batch-row slice pe[start:end+1] then stack along batch dim.
    seq_len = x.shape[1]
    starts = x[:, 0]

    def _row_slice(start):
        return jax.lax.dynamic_slice(pe, (start, jnp.zeros((), start.dtype)), (seq_len, pe.shape[1]))

    return jax.vmap(_row_slice)(starts)

if __name__ == "__main__":
    import jax
    _d = setup_inputs()
    print(jax.jit(kernel)(*tuple(_d.values())))

</pallas_src>

<mosaic_0001>
#map = affine_map<(d0, d1) -> (0)>
#map1 = affine_map<(d0, d1) -> (0, 0)>
#map2 = affine_map<(d0, d1) -> (0, 0, 0)>
module attributes {stable_mosaic.version = 14 : i64} {
  func.func @_pe_slice_body(%arg0: i32, %arg1: i32, %arg2: memref<64xi32, #tpu.memory_space<hbm>>, %arg3: memref<8192x2048xf32, #tpu.memory_space<hbm>>, %arg4: memref<4x2048x2048xf32, #tpu.memory_space<hbm>>, %arg5: memref<16xi32, #tpu.memory_space<vmem>>, %arg6: memref<3x16x2048xf32, #tpu.memory_space<vmem>>, %arg7: memref<3x!tpu.dma_semaphore, #tpu.memory_space<semaphore_mem>>, %arg8: memref<3x!tpu.dma_semaphore, #tpu.memory_space<semaphore_mem>>) attributes {dimension_semantics = [#tpu.dimension_semantics<core_parallel>, #tpu.dimension_semantics<subcore_parallel>], iteration_bounds = array<i64: 2, 16>, scalar_prefetch = 0 : i64, scratch_operands = 4 : i64, tpu.core_type = #tpu.core_type<sc_vector_subcore>, window_params = [{transform_indices = #map}, {transform_indices = #map1}, {transform_indices = #map2}]} {
    %mul3A = arith.constant 2 : i32
    %mul3A_0 = arith.muli %arg1, %mul3A : i32
    %add3A = arith.addi %mul3A_0, %arg0 : i32
    %jit3A = arith.constant 8 : i32
    %div3A = arith.divsi %add3A, %jit3A : i32
    %sign3A = arith.constant 0 : i32
    %sign3A_1 = arith.cmpi sgt, %add3A, %sign3A : i32
    %sign3A_2 = arith.extui %sign3A_1 : i1 to i32
    %sign3A_3 = arith.constant 0 : i32
    %sign3A_4 = arith.cmpi slt, %add3A, %sign3A_3 : i32
    %sign3A_5 = arith.extui %sign3A_4 : i1 to i32
    %sign3A_6 = arith.subi %sign3A_2, %sign3A_5 : i32
    %sign3A_7 = arith.constant 0 : i32
    %sign3A_8 = arith.cmpi sgt, %jit3A, %sign3A_7 : i32
    %sign3A_9 = arith.extui %sign3A_8 : i1 to i32
    %sign3A_10 = arith.constant 0 : i32
    %sign3A_11 = arith.cmpi slt, %jit3A, %sign3A_10 : i32
    %sign3A_12 = arith.extui %sign3A_11 : i1 to i32
    %sign3A_13 = arith.subi %sign3A_9, %sign3A_12 : i32
    %ne3A = arith.cmpi ne, %sign3A_6, %sign3A_13 : i32
    %rem3A = arith.remsi %add3A, %jit3A : i32
    %ne3A_14 = arith.constant 0 : i32
    %ne3A_15 = arith.cmpi ne, %rem3A, %ne3A_14 : i32
    %and3A = arith.andi %ne3A, %ne3A_15 : i1
    %sub3A = arith.constant 1 : i32
    %sub3A_16 = arith.subi %div3A, %sub3A : i32
    %select_n3A = arith.select %and3A, %sub3A_16, %div3A : i32
    %jit3A_17 = arith.constant 8 : i32
    %eq3A = arith.constant 0 : i32
    %eq3A_18 = arith.cmpi eq, %jit3A_17, %eq3A : i32
    %jit3A_19 = arith.constant 1 : i32
    %select_n3A_20 = arith.select %eq3A_18, %jit3A_19, %jit3A_17 : i32
    %rem3A_21 = arith.remsi %add3A, %select_n3A_20 : i32
    %ne3A_22 = arith.constant 0 : i32
    %ne3A_23 = arith.cmpi ne, %rem3A_21, %ne3A_22 : i32
    %lt3A = arith.constant 0 : i32
    %lt3A_24 = arith.cmpi slt, %rem3A_21, %lt3A : i32
    %lt3A_25 = arith.constant 0 : i32
    %lt3A_26 = arith.cmpi slt, %select_n3A_20, %lt3A_25 : i32
    %ne3A_27 = arith.xori %lt3A_24, %lt3A_26 : i1
    %and3A_28 = arith.andi %ne3A_27, %ne3A_23 : i1
    %add3A_29 = arith.addi %rem3A_21, %select_n3A_20 : i32
    %select_n3A_30 = arith.select %and3A_28, %add3A_29, %rem3A_21 : i32
    %mul3A_31 = arith.constant 256 : i32
    %mul3A_32 = arith.muli %select_n3A_30, %mul3A_31 : i32
    %mul3A_33 = arith.constant 16 : i32
    %mul3A_34 = arith.muli %select_n3A, %mul3A_33 : i32
    "tpu.region"() ({
      %run_scoped3A = tpu.sem_alloc : memref<!tpu.dma_semaphore, #tpu.memory_space<semaphore_mem>>
      %dma_start3A = tpu.memref_slice %arg2[%mul3A_34] : memref<64xi32, #tpu.memory_space<hbm>> -> memref<16xi32, #tpu.memory_space<hbm>>
      %dma_start3A_128 = tpu.memref_slice %arg2[%mul3A_34] : memref<64xi32, #tpu.memory_space<hbm>> -> memref<16xi32, #tpu.memory_space<hbm>>
      tpu.enqueue_dma source(%dma_start3A_128 : memref<16xi32, #tpu.memory_space<hbm>>) target(%arg5 : memref<16xi32, #tpu.memory_space<vmem>>) target_semaphore(%run_scoped3A : memref<!tpu.dma_semaphore, #tpu.memory_space<semaphore_mem>>)
      %dma_wait3A_129 = tpu.memref_slice %arg2[%mul3A_34] : memref<64xi32, #tpu.memory_space<hbm>> -> memref<16xi32, #tpu.memory_space<hbm>>
      %dma_wait3A_130 = tpu.memref_slice %arg2[%mul3A_34] : memref<64xi32, #tpu.memory_space<hbm>> -> memref<16xi32, #tpu.memory_space<hbm>>
      tpu.wait_dma2 semaphore(%run_scoped3A : memref<!tpu.dma_semaphore, #tpu.memory_space<semaphore_mem>>) src(%dma_wait3A_130 : memref<16xi32, #tpu.memory_space<hbm>>) dst(%arg5 : memref<16xi32, #tpu.memory_space<vmem>>)
      tpu.yield
    }) : () -> ()
    %get3A = arith.constant 0 : index
    %get3A_35 = tpu.vector_load %arg5[%get3A] {strides = array<i32>} : memref<16xi32, #tpu.memory_space<vmem>>, vector<16xi32>,
    %reduce_min3A = arith.constant true
    %reduce_min3A_36 = vector.broadcast %reduce_min3A : i1 to vector<16xi1>
    %reduce_min3A_37 = arith.constant -2147483648 : i32
    %reduce_min3A_38 = vector.broadcast %reduce_min3A_37 : i32 to vector<16xi32>
    %reduce_min3A_39 = arith.xori %get3A_35, %reduce_min3A_38 : vector<16xi32>
    %reduce_min3A_40 = tpu.scan <min>, %reduce_min3A_39 masked %reduce_min3A_36 : vector<16xi32>, vector<16xi1> -> vector<16xi32>
    %reduce_min3A_41 = arith.xori %reduce_min3A_40, %reduce_min3A_38 : vector<16xi32>
    %reduce_min3A_42 = vector.extract %reduce_min3A_41[15] : i32 from vector<16xi32>
    %max3A = arith.constant 0 : i32
    %max3A_43 = arith.maxsi %reduce_min3A_42, %max3A : i32
    %min3A = arith.constant 6144 : i32
    %min3A_44 = arith.minsi %max3A_43, %min3A : i32
    %iota3A = tpu.iota {dimensions = array<i32: 0>} : vector<16xi32>
    %rem3A_45 = arith.constant 8 : i32
    %rem3A_46 = arith.remsi %min3A_44, %rem3A_45 : i32
    %eq3A_47 = arith.constant 0 : i32
    %eq3A_48 = arith.cmpi eq, %rem3A_46, %eq3A_47 : i32
    %convert_element_type3A = arith.extui %eq3A_48 : i1 to i32
    %cond3A = arith.constant 0 : i32
    %cond3A_49 = arith.cmpi ne, %convert_element_type3A, %cond3A : i32
    scf.if %cond3A_49 {
      %add3A_128 = arith.addi %min3A_44, %mul3A_32 : i32
      %add3A_129 = arith.constant 0 : i32
      %add3A_130 = arith.addi %add3A_128, %add3A_129 : i32
      %multiple_of3A_131 = tpu.assume_multiple %add3A_130, 8 : i32
      %dma_start3A = arith.constant 0 : i32
      %dma_start3A_132 = arith.constant 0 : i32
      %dma_start3A_133 = arith.constant 0 : i32
      %dma_start3A_134 = arith.constant 0 : i32
      %dma_start3A_135 = tpu.memref_slice %arg6[%dma_start3A, %dma_start3A_133, %dma_start3A_134] : memref<3x16x2048xf32, #tpu.memory_space<vmem>> -> memref<1x16x2048xf32, #tpu.memory_space<vmem>>
      %dma_start3A_136 = tpu.memref_squeeze %dma_start3A_135 : memref<1x16x2048xf32, #tpu.memory_space<vmem>> -> memref<16x2048xf32, #tpu.memory_space<vmem>>
      %dma_start3A_137 = arith.constant 0 : i32
      %dma_start3A_138 = tpu.memref_slice %arg3[%multiple_of3A_131, %dma_start3A_137] : memref<8192x2048xf32, #tpu.memory_space<hbm>> -> memref<16x2048xf32, #tpu.memory_space<hbm>>
      %dma_start3A_139 = tpu.memref_slice %arg7[%dma_start3A_132] : memref<3x!tpu.dma_semaphore, #tpu.memory_space<semaphore_mem>> -> memref<1x!tpu.dma_semaphore, #tpu.memory_space<semaphore_mem>>
      %dma_start3A_140 = tpu.memref_squeeze %dma_start3A_139 : memref<1x!tpu.dma_semaphore, #tpu.memory_space<semaphore_mem>> -> memref<!tpu.dma_semaphore, #tpu.memory_space<semaphore_mem>>
      %dma_start3A_141 = arith.constant 0 : i32
      %dma_start3A_142 = arith.constant 0 : i32
      %dma_start3A_143 = tpu.memref_slice %arg6[%dma_start3A, %dma_start3A_141, %dma_start3A_142] : memref<3x16x2048xf32, #tpu.memory_space<vmem>> -> memref<1x16x2048xf32, #tpu.memory_space<vmem>>
      %dma_start3A_144 = tpu.memref_squeeze %dma_start3A_143 : memref<1x16x2048xf32, #tpu.memory_space<vmem>> -> memref<16x2048xf32, #tpu.memory_space<vmem>>
      %dma_start3A_145 = arith.constant 0 : i32
      %dma_start3A_146 = tpu.memref_slice %arg3[%multiple_of3A_131, %dma_start3A_145] : memref<8192x2048xf32, #tpu.memory_space<hbm>> -> memref<16x2048xf32, #tpu.memory_space<hbm>>
      tpu.enqueue_dma source(%dma_start3A_146 : memref<16x2048xf32, #tpu.memory_space<hbm>>) target(%dma_start3A_144 : memref<16x2048xf32, #tpu.memory_space<vmem>>) target_semaphore(%dma_start3A_140 : memref<!tpu.dma_semaphore, #tpu.memory_space<semaphore_mem>>)
    } else {
    }
    %not3A = arith.constant true
    %not3A_50 = arith.xori %eq3A_48, %not3A : i1
    %convert_element_type3A_51 = arith.extui %not3A_50 : i1 to i32
    %cond3A_52 = arith.constant 0 : i32
    %cond3A_53 = arith.cmpi ne, %convert_element_type3A_51, %cond3A_52 : i32
    scf.if %cond3A_53 {
      %add3A_128 = arith.addi %min3A_44, %mul3A_32 : i32
      %add3A_129 = arith.constant 0 : i32
      %add3A_130 = arith.addi %add3A_128, %add3A_129 : i32
      %add3A_131 = vector.broadcast %add3A_130 : i32 to vector<16xi32>
      %add3A_132 = arith.addi %iota3A, %add3A_131 : vector<16xi32>
      %dma_start3A = arith.constant 0 : i32
      %dma_start3A_133 = arith.constant 0 : i32
      %dma_start3A_134 = arith.constant 0 : i32
      %dma_start3A_135 = arith.constant 0 : i32
      %dma_start3A_136 = tpu.memref_slice %arg6[%dma_start3A, %dma_start3A_134, %dma_start3A_135] : memref<3x16x2048xf32, #tpu.memory_space<vmem>> -> memref<1x16x2048xf32, #tpu.memory_space<vmem>>
      %dma_start3A_137 = tpu.memref_squeeze %dma_start3A_136 : memref<1x16x2048xf32, #tpu.memory_space<vmem>> -> memref<16x2048xf32, #tpu.memory_space<vmem>>
      %dma_start3A_138 = arith.constant 0 : i32
      %dma_start3A_139 = arith.constant 0 : i32
      %dma_start3A_140 = tpu.memref_slice %arg3[%dma_start3A_138, %dma_start3A_139] : memref<8192x2048xf32, #tpu.memory_space<hbm>> -> memref<8192x2048xf32, #tpu.memory_space<hbm>>
      %dma_start3A_141 = tpu.memref_slice %arg7[%dma_start3A_133] : memref<3x!tpu.dma_semaphore, #tpu.memory_space<semaphore_mem>> -> memref<1x!tpu.dma_semaphore, #tpu.memory_space<semaphore_mem>>
      %dma_start3A_142 = tpu.memref_squeeze %dma_start3A_141 : memref<1x!tpu.dma_semaphore, #tpu.memory_space<semaphore_mem>> -> memref<!tpu.dma_semaphore, #tpu.memory_space<semaphore_mem>>
      tpu.enqueue_indirect_dma source(%dma_start3A_140 : memref<8192x2048xf32, #tpu.memory_space<hbm>>) target(%dma_start3A_137 : memref<16x2048xf32, #tpu.memory_space<vmem>>) offsets(%add3A_132 : vector<16xi32>) semaphore(%dma_start3A_142 : memref<!tpu.dma_semaphore, #tpu.memory_space<semaphore_mem>>)
    } else {
    }
    %convert_element_type3A_54 = arith.extui %eq3A_48 : i1 to i32
    %cond3A_55 = arith.constant 0 : i32
    %cond3A_56 = arith.cmpi ne, %convert_element_type3A_54, %cond3A_55 : i32
    scf.if %cond3A_56 {
      %add3A_128 = arith.addi %min3A_44, %mul3A_32 : i32
      %add3A_129 = arith.constant 16 : i32
      %add3A_130 = arith.addi %add3A_128, %add3A_129 : i32
      %multiple_of3A_131 = tpu.assume_multiple %add3A_130, 8 : i32
      %dma_start3A = arith.constant 1 : i32
      %dma_start3A_132 = arith.constant 1 : i32
      %dma_start3A_133 = arith.constant 0 : i32
      %dma_start3A_134 = arith.constant 0 : i32
      %dma_start3A_135 = tpu.memref_slice %arg6[%dma_start3A, %dma_start3A_133, %dma_start3A_134] : memref<3x16x2048xf32, #tpu.memory_space<vmem>> -> memref<1x16x2048xf32, #tpu.memory_space<vmem>>
      %dma_start3A_136 = tpu.memref_squeeze %dma_start3A_135 : memref<1x16x2048xf32, #tpu.memory_space<vmem>> -> memref<16x2048xf32, #tpu.memory_space<vmem>>
      %dma_start3A_137 = arith.constant 0 : i32
      %dma_start3A_138 = tpu.memref_slice %arg3[%multiple_of3A_131, %dma_start3A_137] : memref<8192x2048xf32, #tpu.memory_space<hbm>> -> memref<16x2048xf32, #tpu.memory_space<hbm>>
      %dma_start3A_139 = tpu.memref_slice %arg7[%dma_start3A_132] : memref<3x!tpu.dma_semaphore, #tpu.memory_space<semaphore_mem>> -> memref<1x!tpu.dma_semaphore, #tpu.memory_space<semaphore_mem>>
      %dma_start3A_140 = tpu.memref_squeeze %dma_start3A_139 : memref<1x!tpu.dma_semaphore, #tpu.memory_space<semaphore_mem>> -> memref<!tpu.dma_semaphore, #tpu.memory_space<semaphore_mem>>
      %dma_start3A_141 = arith.constant 0 : i32
      %dma_start3A_142 = arith.constant 0 : i32
      %dma_start3A_143 = tpu.memref_slice %arg6[%dma_start3A, %dma_start3A_141, %dma_start3A_142] : memref<3x16x2048xf32, #tpu.memory_space<vmem>> -> memref<1x16x2048xf32, #tpu.memory_space<vmem>>
      %dma_start3A_144 = tpu.memref_squeeze %dma_start3A_143 : memref<1x16x2048xf32, #tpu.memory_space<vmem>> -> memref<16x2048xf32, #tpu.memory_space<vmem>>
      %dma_start3A_145 = arith.constant 0 : i32
      %dma_start3A_146 = tpu.memref_slice %arg3[%multiple_of3A_131, %dma_start3A_145] : memref<8192x2048xf32, #tpu.memory_space<hbm>> -> memref<16x2048xf32, #tpu.memory_space<hbm>>
      tpu.enqueue_dma source(%dma_start3A_146 : memref<16x2048xf32, #tpu.memory_space<hbm>>) target(%dma_start3A_144 : memref<16x2048xf32, #tpu.memory_space<vmem>>) target_semaphore(%dma_start3A_140 : memref<!tpu.dma_semaphore, #tpu.memory_space<semaphore_mem>>)
    } else {
    }
    %not3A_57 = arith.constant true
    %not3A_58 = arith.xori %eq3A_48, %not3A_57 : i1
    %convert_element_type3A_59 = arith.extui %not3A_58 : i1 to i32
    %cond3A_60 = arith.constant 0 : i32
    %cond3A_61 = arith.cmpi ne, %convert_element_type3A_59, %cond3A_60 : i32
    scf.if %cond3A_61 {
      %add3A_128 = arith.addi %min3A_44, %mul3A_32 : i32
      %add3A_129 = arith.constant 16 : i32
      %add3A_130 = arith.addi %add3A_128, %add3A_129 : i32
      %add3A_131 = vector.broadcast %add3A_130 : i32 to vector<16xi32>
      %add3A_132 = arith.addi %iota3A, %add3A_131 : vector<16xi32>
      %dma_start3A = arith.constant 1 : i32
      %dma_start3A_133 = arith.constant 1 : i32
      %dma_start3A_134 = arith.constant 0 : i32
      %dma_start3A_135 = arith.constant 0 : i32
      %dma_start3A_136 = tpu.memref_slice %arg6[%dma_start3A, %dma_start3A_134, %dma_start3A_135] : memref<3x16x2048xf32, #tpu.memory_space<vmem>> -> memref<1x16x2048xf32, #tpu.memory_space<vmem>>
      %dma_start3A_137 = tpu.memref_squeeze %dma_start3A_136 : memref<1x16x2048xf32, #tpu.memory_space<vmem>> -> memref<16x2048xf32, #tpu.memory_space<vmem>>
      %dma_start3A_138 = arith.constant 0 : i32
      %dma_start3A_139 = arith.constant 0 : i32
      %dma_start3A_140 = tpu.memref_slice %arg3[%dma_start3A_138, %dma_start3A_139] : memref<8192x2048xf32, #tpu.memory_space<hbm>> -> memref<8192x2048xf32, #tpu.memory_space<hbm>>
      %dma_start3A_141 = tpu.memref_slice %arg7[%dma_start3A_133] : memref<3x!tpu.dma_semaphore, #tpu.memory_space<semaphore_mem>> -> memref<1x!tpu.dma_semaphore, #tpu.memory_space<semaphore_mem>>
      %dma_start3A_142 = tpu.memref_squeeze %dma_start3A_141 : memref<1x!tpu.dma_semaphore, #tpu.memory_space<semaphore_mem>> -> memref<!tpu.dma_semaphore, #tpu.memory_space<semaphore_mem>>
      tpu.enqueue_indirect_dma source(%dma_start3A_140 : memref<8192x2048xf32, #tpu.memory_space<hbm>>) target(%dma_start3A_137 : memref<16x2048xf32, #tpu.memory_space<vmem>>) offsets(%add3A_132 : vector<16xi32>) semaphore(%dma_start3A_142 : memref<!tpu.dma_semaphore, #tpu.memory_space<semaphore_mem>>)
    } else {
    }
    %scan3A = arith.constant 0 : i32
    %scan3A_62 = arith.constant 0 : i32
    %scan3A_63 = arith.constant 16 : i32
    %scan3A_64 = arith.addi %scan3A_62, %scan3A_63 : i32
    %scan3A_65 = arith.constant 1 : i32
    scf.for %scan3A_128 = %scan3A_62 to %scan3A_64 step %scan3A_65  : i32 {
      %add3A_129 = arith.constant 3 : i32
      %add3A_130 = arith.addi %scan3A_128, %add3A_129 : i32
      %sub3A_131 = arith.constant 1 : i32
      %sub3A_132 = arith.subi %add3A_130, %sub3A_131 : i32
      %lt3A_133 = arith.constant 16 : i32
      %lt3A_134 = arith.cmpi slt, %sub3A_132, %lt3A_133 : i32
      %convert_element_type3A_135 = arith.extui %lt3A_134 : i1 to i32
      %cond3A_136 = arith.constant 0 : i32
      %cond3A_137 = arith.cmpi ne, %convert_element_type3A_135, %cond3A_136 : i32
      scf.if %cond3A_137 {
        %sub3A_178 = arith.constant 3 : i32
        %sub3A_179 = arith.subi %sub3A_132, %sub3A_178 : i32
        %ge3A = arith.constant 0 : i32
        %ge3A_180 = arith.cmpi sge, %sub3A_179, %ge3A : i32
        %convert_element_type3A_181 = arith.extui %ge3A_180 : i1 to i32
        %cond3A_182 = arith.constant 0 : i32
        %cond3A_183 = arith.cmpi ne, %convert_element_type3A_181, %cond3A_182 : i32
        scf.if %cond3A_183 {
          %sub3A_194 = arith.constant 3 : i32
          %sub3A_195 = arith.subi %sub3A_132, %sub3A_194 : i32
          %sub3A_196 = arith.constant 3 : i32
          %sub3A_197 = arith.subi %sub3A_132, %sub3A_196 : i32
          %rem3A_198 = arith.constant 3 : i32
          %rem3A_199 = arith.remsi %sub3A_197, %rem3A_198 : i32
          %mul3A_200 = arith.constant 16 : i32
          %mul3A_201 = arith.muli %sub3A_195, %mul3A_200 : i32
          %add3A_202 = arith.addi %mul3A_32, %mul3A_201 : i32
          %multiple_of3A_203 = tpu.assume_multiple %add3A_202, 8 : i32
          %dma_wait3A_204 = arith.constant 0 : i32
          %dma_wait3A_205 = arith.constant 0 : i32
          %dma_wait3A_206 = tpu.memref_slice %arg6[%rem3A_199, %dma_wait3A_204, %dma_wait3A_205] : memref<3x16x2048xf32, #tpu.memory_space<vmem>> -> memref<1x16x2048xf32, #tpu.memory_space<vmem>>
          %dma_wait3A_207 = tpu.memref_squeeze %dma_wait3A_206 : memref<1x16x2048xf32, #tpu.memory_space<vmem>> -> memref<16x2048xf32, #tpu.memory_space<vmem>>
          %dma_wait3A_208 = arith.constant 0 : i32
          %dma_wait3A_209 = tpu.memref_slice %arg4[%select_n3A, %multiple_of3A_203, %dma_wait3A_208] : memref<4x2048x2048xf32, #tpu.memory_space<hbm>> -> memref<1x16x2048xf32, #tpu.memory_space<hbm>>
          %dma_wait3A_210 = tpu.memref_squeeze %dma_wait3A_209 : memref<1x16x2048xf32, #tpu.memory_space<hbm>> -> memref<16x2048xf32, #tpu.memory_space<hbm>>
          %dma_wait3A_211 = tpu.memref_slice %arg8[%rem3A_199] : memref<3x!tpu.dma_semaphore, #tpu.memory_space<semaphore_mem>> -> memref<1x!tpu.dma_semaphore, #tpu.memory_space<semaphore_mem>>
          %dma_wait3A_212 = tpu.memref_squeeze %dma_wait3A_211 : memref<1x!tpu.dma_semaphore, #tpu.memory_space<semaphore_mem>> -> memref<!tpu.dma_semaphore, #tpu.memory_space<semaphore_mem>>
          %dma_wait3A_213 = arith.constant 0 : i32
          %dma_wait3A_214 = tpu.memref_slice %arg4[%select_n3A, %multiple_of3A_203, %dma_wait3A_213] : memref<4x2048x2048xf32, #tpu.memory_space<hbm>> -> memref<1x16x2048xf32, #tpu.memory_space<hbm>>
          %dma_wait3A_215 = tpu.memref_squeeze %dma_wait3A_214 : memref<1x16x2048xf32, #tpu.memory_space<hbm>> -> memref<16x2048xf32, #tpu.memory_space<hbm>>
          %dma_wait3A_216 = arith.constant 0 : i32
          %dma_wait3A_217 = arith.constant 0 : i32
          %dma_wait3A_218 = tpu.memref_slice %arg6[%rem3A_199, %dma_wait3A_216, %dma_wait3A_217] : memref<3x16x2048xf32, #tpu.memory_space<vmem>> -> memref<1x16x2048xf32, #tpu.memory_space<vmem>>
          %dma_wait3A_219 = tpu.memref_squeeze %dma_wait3A_218 : memref<1x16x2048xf32, #tpu.memory_space<vmem>> -> memref<16x2048xf32, #tpu.memory_space<vmem>>
          tpu.wait_dma2 semaphore(%dma_wait3A_212 : memref<!tpu.dma_semaphore, #tpu.memory_space<semaphore_mem>>) src(%dma_wait3A_219 : memref<16x2048xf32, #tpu.memory_space<vmem>>) dst(%dma_wait3A_215 : memref<16x2048xf32, #tpu.memory_space<hbm>>)
        } else {
        }
        %rem3A_184 = arith.constant 3 : i32
        %rem3A_185 = arith.remsi %sub3A_132, %rem3A_184 : i32
        %convert_element_type3A_186 = arith.extui %eq3A_48 : i1 to i32
        %cond3A_187 = arith.constant 0 : i32
        %cond3A_188 = arith.cmpi ne, %convert_element_type3A_186, %cond3A_187 : i32
        scf.if %cond3A_188 {
          %add3A_194 = arith.addi %min3A_44, %mul3A_32 : i32
          %mul3A_195 = arith.constant 16 : i32
          %mul3A_196 = arith.muli %sub3A_132, %mul3A_195 : i32
          %add3A_197 = arith.addi %add3A_194, %mul3A_196 : i32
          %multiple_of3A_198 = tpu.assume_multiple %add3A_197, 8 : i32
          %dma_start3A_199 = arith.constant 0 : i32
          %dma_start3A_200 = arith.constant 0 : i32
          %dma_start3A_201 = tpu.memref_slice %arg6[%rem3A_185, %dma_start3A_199, %dma_start3A_200] : memref<3x16x2048xf32, #tpu.memory_space<vmem>> -> memref<1x16x2048xf32, #tpu.memory_space<vmem>>
          %dma_start3A_202 = tpu.memref_squeeze %dma_start3A_201 : memref<1x16x2048xf32, #tpu.memory_space<vmem>> -> memref<16x2048xf32, #tpu.memory_space<vmem>>
          %dma_start3A_203 = arith.constant 0 : i32
          %dma_start3A_204 = tpu.memref_slice %arg3[%multiple_of3A_198, %dma_start3A_203] : memref<8192x2048xf32, #tpu.memory_space<hbm>> -> memref<16x2048xf32, #tpu.memory_space<hbm>>
          %dma_start3A_205 = tpu.memref_slice %arg7[%rem3A_185] : memref<3x!tpu.dma_semaphore, #tpu.memory_space<semaphore_mem>> -> memref<1x!tpu.dma_semaphore, #tpu.memory_space<semaphore_mem>>
          %dma_start3A_206 = tpu.memref_squeeze %dma_start3A_205 : memref<1x!tpu.dma_semaphore, #tpu.memory_space<semaphore_mem>> -> memref<!tpu.dma_semaphore, #tpu.memory_space<semaphore_mem>>
          %dma_start3A_207 = arith.constant 0 : i32
          %dma_start3A_208 = arith.constant 0 : i32
          %dma_start3A_209 = tpu.memref_slice %arg6[%rem3A_185, %dma_start3A_207, %dma_start3A_208] : memref<3x16x2048xf32, #tpu.memory_space<vmem>> -> memref<1x16x2048xf32, #tpu.memory_space<vmem>>
          %dma_start3A_210 = tpu.memref_squeeze %dma_start3A_209 : memref<1x16x2048xf32, #tpu.memory_space<vmem>> -> memref<16x2048xf32, #tpu.memory_space<vmem>>
          %dma_start3A_211 = arith.constant 0 : i32
          %dma_start3A_212 = tpu.memref_slice %arg3[%multiple_of3A_198, %dma_start3A_211] : memref<8192x2048xf32, #tpu.memory_space<hbm>> -> memref<16x2048xf32, #tpu.memory_space<hbm>>
          tpu.enqueue_dma source(%dma_start3A_212 : memref<16x2048xf32, #tpu.memory_space<hbm>>) target(%dma_start3A_210 : memref<16x2048xf32, #tpu.memory_space<vmem>>) target_semaphore(%dma_start3A_206 : memref<!tpu.dma_semaphore, #tpu.memory_space<semaphore_mem>>)
        } else {
        }
        %not3A_189 = arith.constant true
        %not3A_190 = arith.xori %eq3A_48, %not3A_189 : i1
        %convert_element_type3A_191 = arith.extui %not3A_190 : i1 to i32
        %cond3A_192 = arith.constant 0 : i32
        %cond3A_193 = arith.cmpi ne, %convert_element_type3A_191, %cond3A_192 : i32
        scf.if %cond3A_193 {
          %add3A_194 = arith.addi %min3A_44, %mul3A_32 : i32
          %mul3A_195 = arith.constant 16 : i32
          %mul3A_196 = arith.muli %sub3A_132, %mul3A_195 : i32
          %add3A_197 = arith.addi %add3A_194, %mul3A_196 : i32
          %add3A_198 = vector.broadcast %add3A_197 : i32 to vector<16xi32>
          %add3A_199 = arith.addi %iota3A, %add3A_198 : vector<16xi32>
          %dma_start3A_200 = arith.constant 0 : i32
          %dma_start3A_201 = arith.constant 0 : i32
          %dma_start3A_202 = tpu.memref_slice %arg6[%rem3A_185, %dma_start3A_200, %dma_start3A_201] : memref<3x16x2048xf32, #tpu.memory_space<vmem>> -> memref<1x16x2048xf32, #tpu.memory_space<vmem>>
          %dma_start3A_203 = tpu.memref_squeeze %dma_start3A_202 : memref<1x16x2048xf32, #tpu.memory_space<vmem>> -> memref<16x2048xf32, #tpu.memory_space<vmem>>
          %dma_start3A_204 = arith.constant 0 : i32
          %dma_start3A_205 = arith.constant 0 : i32
          %dma_start3A_206 = tpu.memref_slice %arg3[%dma_start3A_204, %dma_start3A_205] : memref<8192x2048xf32, #tpu.memory_space<hbm>> -> memref<8192x2048xf32, #tpu.memory_space<hbm>>
          %dma_start3A_207 = tpu.memref_slice %arg7[%rem3A_185] : memref<3x!tpu.dma_semaphore, #tpu.memory_space<semaphore_mem>> -> memref<1x!tpu.dma_semaphore, #tpu.memory_space<semaphore_mem>>
          %dma_start3A_208 = tpu.memref_squeeze %dma_start3A_207 : memref<1x!tpu.dma_semaphore, #tpu.memory_space<semaphore_mem>> -> memref<!tpu.dma_semaphore, #tpu.memory_space<semaphore_mem>>
          tpu.enqueue_indirect_dma source(%dma_start3A_206 : memref<8192x2048xf32, #tpu.memory_space<hbm>>) target(%dma_start3A_203 : memref<16x2048xf32, #tpu.memory_space<vmem>>) offsets(%add3A_199 : vector<16xi32>) semaphore(%dma_start3A_208 : memref<!tpu.dma_semaphore, #tpu.memory_space<semaphore_mem>>)
        } else {
        }
      } else {
      }
      %rem3A_138 = arith.constant 3 : i32
      %rem3A_139 = arith.remsi %scan3A_128, %rem3A_138 : i32
      %add3A_140 = arith.addi %min3A_44, %mul3A_32 : i32
      %mul3A_141 = arith.constant 16 : i32
      %mul3A_142 = arith.muli %scan3A_128, %mul3A_141 : i32
      %add3A_143 = arith.addi %add3A_140, %mul3A_142 : i32
      %multiple_of3A_144 = tpu.assume_multiple %add3A_143, 8 : i32
      %dma_wait3A_145 = arith.constant 0 : i32
      %dma_wait3A_146 = arith.constant 0 : i32
      %dma_wait3A_147 = tpu.memref_slice %arg6[%rem3A_139, %dma_wait3A_145, %dma_wait3A_146] : memref<3x16x2048xf32, #tpu.memory_space<vmem>> -> memref<1x16x2048xf32, #tpu.memory_space<vmem>>
      %dma_wait3A_148 = tpu.memref_squeeze %dma_wait3A_147 : memref<1x16x2048xf32, #tpu.memory_space<vmem>> -> memref<16x2048xf32, #tpu.memory_space<vmem>>
      %dma_wait3A_149 = arith.constant 0 : i32
      %dma_wait3A_150 = tpu.memref_slice %arg3[%multiple_of3A_144, %dma_wait3A_149] : memref<8192x2048xf32, #tpu.memory_space<hbm>> -> memref<16x2048xf32, #tpu.memory_space<hbm>>
      %dma_wait3A_151 = tpu.memref_slice %arg7[%rem3A_139] : memref<3x!tpu.dma_semaphore, #tpu.memory_space<semaphore_mem>> -> memref<1x!tpu.dma_semaphore, #tpu.memory_space<semaphore_mem>>
      %dma_wait3A_152 = tpu.memref_squeeze %dma_wait3A_151 : memref<1x!tpu.dma_semaphore, #tpu.memory_space<semaphore_mem>> -> memref<!tpu.dma_semaphore, #tpu.memory_space<semaphore_mem>>
      %dma_wait3A_153 = arith.constant 0 : i32
      %dma_wait3A_154 = arith.constant 0 : i32
      %dma_wait3A_155 = tpu.memref_slice %arg6[%rem3A_139, %dma_wait3A_153, %dma_wait3A_154] : memref<3x16x2048xf32, #tpu.memory_space<vmem>> -> memref<1x16x2048xf32, #tpu.memory_space<vmem>>
      %dma_wait3A_156 = tpu.memref_squeeze %dma_wait3A_155 : memref<1x16x2048xf32, #tpu.memory_space<vmem>> -> memref<16x2048xf32, #tpu.memory_space<vmem>>
      %dma_wait3A_157 = arith.constant 0 : i32
      %dma_wait3A_158 = tpu.memref_slice %arg3[%multiple_of3A_144, %dma_wait3A_157] : memref<8192x2048xf32, #tpu.memory_space<hbm>> -> memref<16x2048xf32, #tpu.memory_space<hbm>>
      tpu.wait_dma2 semaphore(%dma_wait3A_152 : memref<!tpu.dma_semaphore, #tpu.memory_space<semaphore_mem>>) src(%dma_wait3A_158 : memref<16x2048xf32, #tpu.memory_space<hbm>>) dst(%dma_wait3A_156 : memref<16x2048xf32, #tpu.memory_space<vmem>>)
      %mul3A_159 = arith.constant 16 : i32
      %mul3A_160 = arith.muli %scan3A_128, %mul3A_159 : i32
      %add3A_161 = arith.addi %mul3A_32, %mul3A_160 : i32
      %multiple_of3A_162 = tpu.assume_multiple %add3A_161, 8 : i32
      %dma_start3A = arith.constant 0 : i32
      %dma_start3A_163 = arith.constant 0 : i32
      %dma_start3A_164 = tpu.memref_slice %arg6[%rem3A_139, %dma_start3A, %dma_start3A_163] : memref<3x16x2048xf32, #tpu.memory_space<vmem>> -> memref<1x16x2048xf32, #tpu.memory_space<vmem>>
      %dma_start3A_165 = tpu.memref_squeeze %dma_start3A_164 : memref<1x16x2048xf32, #tpu.memory_space<vmem>> -> memref<16x2048xf32, #tpu.memory_space<vmem>>
      %dma_start3A_166 = arith.constant 0 : i32
      %dma_start3A_167 = tpu.memref_slice %arg4[%select_n3A, %multiple_of3A_162, %dma_start3A_166] : memref<4x2048x2048xf32, #tpu.memory_space<hbm>> -> memref<1x16x2048xf32, #tpu.memory_space<hbm>>
      %dma_start3A_168 = tpu.memref_squeeze %dma_start3A_167 : memref<1x16x2048xf32, #tpu.memory_space<hbm>> -> memref<16x2048xf32, #tpu.memory_space<hbm>>
      %dma_start3A_169 = tpu.memref_slice %arg8[%rem3A_139] : memref<3x!tpu.dma_semaphore, #tpu.memory_space<semaphore_mem>> -> memref<1x!tpu.dma_semaphore, #tpu.memory_space<semaphore_mem>>
      %dma_start3A_170 = tpu.memref_squeeze %dma_start3A_169 : memref<1x!tpu.dma_semaphore, #tpu.memory_space<semaphore_mem>> -> memref<!tpu.dma_semaphore, #tpu.memory_space<semaphore_mem>>
      %dma_start3A_171 = arith.constant 0 : i32
      %dma_start3A_172 = tpu.memref_slice %arg4[%select_n3A, %multiple_of3A_162, %dma_start3A_171] : memref<4x2048x2048xf32, #tpu.memory_space<hbm>> -> memref<1x16x2048xf32, #tpu.memory_space<hbm>>
      %dma_start3A_173 = tpu.memref_squeeze %dma_start3A_172 : memref<1x16x2048xf32, #tpu.memory_space<hbm>> -> memref<16x2048xf32, #tpu.memory_space<hbm>>
      %dma_start3A_174 = arith.constant 0 : i32
      %dma_start3A_175 = arith.constant 0 : i32
      %dma_start3A_176 = tpu.memref_slice %arg6[%rem3A_139, %dma_start3A_174, %dma_start3A_175] : memref<3x16x2048xf32, #tpu.memory_space<vmem>> -> memref<1x16x2048xf32, #tpu.memory_space<vmem>>
      %dma_start3A_177 = tpu.memref_squeeze %dma_start3A_176 : memref<1x16x2048xf32, #tpu.memory_space<vmem>> -> memref<16x2048xf32, #tpu.memory_space<vmem>>
      tpu.enqueue_dma source(%dma_start3A_177 : memref<16x2048xf32, #tpu.memory_space<vmem>>) target(%dma_start3A_173 : memref<16x2048xf32, #tpu.memory_space<hbm>>) target_semaphore(%dma_start3A_170 : memref<!tpu.dma_semaphore, #tpu.memory_space<semaphore_mem>>)
    }
    %scan3A_66 = arith.constant 16 : i32
    %add3A_67 = arith.constant 208 : i32
    %add3A_68 = arith.addi %mul3A_32, %add3A_67 : i32
    %multiple_of3A = tpu.assume_multiple %add3A_68, 8 : i32
    %dma_wait3A = arith.constant 1 : i32
    %dma_wait3A_69 = arith.constant 1 : i32
    %dma_wait3A_70 = arith.constant 0 : i32
    %dma_wait3A_71 = arith.constant 0 : i32
    %dma_wait3A_72 = tpu.memref_slice %arg6[%dma_wait3A, %dma_wait3A_70, %dma_wait3A_71] : memref<3x16x2048xf32, #tpu.memory_space<vmem>> -> memref<1x16x2048xf32, #tpu.memory_space<vmem>>
    %dma_wait3A_73 = tpu.memref_squeeze %dma_wait3A_72 : memref<1x16x2048xf32, #tpu.memory_space<vmem>> -> memref<16x2048xf32, #tpu.memory_space<vmem>>
    %dma_wait3A_74 = arith.constant 0 : i32
    %dma_wait3A_75 = tpu.memref_slice %arg4[%select_n3A, %multiple_of3A, %dma_wait3A_74] : memref<4x2048x2048xf32, #tpu.memory_space<hbm>> -> memref<1x16x2048xf32, #tpu.memory_space<hbm>>
    %dma_wait3A_76 = tpu.memref_squeeze %dma_wait3A_75 : memref<1x16x2048xf32, #tpu.memory_space<hbm>> -> memref<16x2048xf32, #tpu.memory_space<hbm>>
    %dma_wait3A_77 = tpu.memref_slice %arg8[%dma_wait3A_69] : memref<3x!tpu.dma_semaphore, #tpu.memory_space<semaphore_mem>> -> memref<1x!tpu.dma_semaphore, #tpu.memory_space<semaphore_mem>>
    %dma_wait3A_78 = tpu.memref_squeeze %dma_wait3A_77 : memref<1x!tpu.dma_semaphore, #tpu.memory_space<semaphore_mem>> -> memref<!tpu.dma_semaphore, #tpu.memory_space<semaphore_mem>>
    %dma_wait3A_79 = arith.constant 0 : i32
    %dma_wait3A_80 = tpu.memref_slice %arg4[%select_n3A, %multiple_of3A, %dma_wait3A_79] : memref<4x2048x2048xf32, #tpu.memory_space<hbm>> -> memref<1x16x2048xf32, #tpu.memory_space<hbm>>
    %dma_wait3A_81 = tpu.memref_squeeze %dma_wait3A_80 : memref<1x16x2048xf32, #tpu.memory_space<hbm>> -> memref<16x2048xf32, #tpu.memory_space<hbm>>
    %dma_wait3A_82 = arith.constant 0 : i32
    %dma_wait3A_83 = arith.constant 0 : i32
    %dma_wait3A_84 = tpu.memref_slice %arg6[%dma_wait3A, %dma_wait3A_82, %dma_wait3A_83] : memref<3x16x2048xf32, #tpu.memory_space<vmem>> -> memref<1x16x2048xf32, #tpu.memory_space<vmem>>
    %dma_wait3A_85 = tpu.memref_squeeze %dma_wait3A_84 : memref<1x16x2048xf32, #tpu.memory_space<vmem>> -> memref<16x2048xf32, #tpu.memory_space<vmem>>
    tpu.wait_dma2 semaphore(%dma_wait3A_78 : memref<!tpu.dma_semaphore, #tpu.memory_space<semaphore_mem>>) src(%dma_wait3A_85 : memref<16x2048xf32, #tpu.memory_space<vmem>>) dst(%dma_wait3A_81 : memref<16x2048xf32, #tpu.memory_space<hbm>>)
    %add3A_86 = arith.constant 224 : i32
    %add3A_87 = arith.addi %mul3A_32, %add3A_86 : i32
    %multiple_of3A_88 = tpu.assume_multiple %add3A_87, 8 : i32
    %dma_wait3A_89 = arith.constant 2 : i32
    %dma_wait3A_90 = arith.constant 2 : i32
    %dma_wait3A_91 = arith.constant 0 : i32
    %dma_wait3A_92 = arith.constant 0 : i32
    %dma_wait3A_93 = tpu.memref_slice %arg6[%dma_wait3A_89, %dma_wait3A_91, %dma_wait3A_92] : memref<3x16x2048xf32, #tpu.memory_space<vmem>> -> memref<1x16x2048xf32, #tpu.memory_space<vmem>>
    %dma_wait3A_94 = tpu.memref_squeeze %dma_wait3A_93 : memref<1x16x2048xf32, #tpu.memory_space<vmem>> -> memref<16x2048xf32, #tpu.memory_space<vmem>>
    %dma_wait3A_95 = arith.constant 0 : i32
    %dma_wait3A_96 = tpu.memref_slice %arg4[%select_n3A, %multiple_of3A_88, %dma_wait3A_95] : memref<4x2048x2048xf32, #tpu.memory_space<hbm>> -> memref<1x16x2048xf32, #tpu.memory_space<hbm>>
    %dma_wait3A_97 = tpu.memref_squeeze %dma_wait3A_96 : memref<1x16x2048xf32, #tpu.memory_space<hbm>> -> memref<16x2048xf32, #tpu.memory_space<hbm>>
    %dma_wait3A_98 = tpu.memref_slice %arg8[%dma_wait3A_90] : memref<3x!tpu.dma_semaphore, #tpu.memory_space<semaphore_mem>> -> memref<1x!tpu.dma_semaphore, #tpu.memory_space<semaphore_mem>>
    %dma_wait3A_99 = tpu.memref_squeeze %dma_wait3A_98 : memref<1x!tpu.dma_semaphore, #tpu.memory_space<semaphore_mem>> -> memref<!tpu.dma_semaphore, #tpu.memory_space<semaphore_mem>>
    %dma_wait3A_100 = arith.constant 0 : i32
    %dma_wait3A_101 = tpu.memref_slice %arg4[%select_n3A, %multiple_of3A_88, %dma_wait3A_100] : memref<4x2048x2048xf32, #tpu.memory_space<hbm>> -> memref<1x16x2048xf32, #tpu.memory_space<hbm>>
    %dma_wait3A_102 = tpu.memref_squeeze %dma_wait3A_101 : memref<1x16x2048xf32, #tpu.memory_space<hbm>> -> memref<16x2048xf32, #tpu.memory_space<hbm>>
    %dma_wait3A_103 = arith.constant 0 : i32
    %dma_wait3A_104 = arith.constant 0 : i32
    %dma_wait3A_105 = tpu.memref_slice %arg6[%dma_wait3A_89, %dma_wait3A_103, %dma_wait3A_104] : memref<3x16x2048xf32, #tpu.memory_space<vmem>> -> memref<1x16x2048xf32, #tpu.memory_space<vmem>>
    %dma_wait3A_106 = tpu.memref_squeeze %dma_wait3A_105 : memref<1x16x2048xf32, #tpu.memory_space<vmem>> -> memref<16x2048xf32, #tpu.memory_space<vmem>>
    tpu.wait_dma2 semaphore(%dma_wait3A_99 : memref<!tpu.dma_semaphore, #tpu.memory_space<semaphore_mem>>) src(%dma_wait3A_106 : memref<16x2048xf32, #tpu.memory_space<vmem>>) dst(%dma_wait3A_102 : memref<16x2048xf32, #tpu.memory_space<hbm>>)
    %add3A_107 = arith.constant 240 : i32
    %add3A_108 = arith.addi %mul3A_32, %add3A_107 : i32
    %multiple_of3A_109 = tpu.assume_multiple %add3A_108, 8 : i32
    %dma_wait3A_110 = arith.constant 0 : i32
    %dma_wait3A_111 = arith.constant 0 : i32
    %dma_wait3A_112 = arith.constant 0 : i32
    %dma_wait3A_113 = arith.constant 0 : i32
    %dma_wait3A_114 = tpu.memref_slice %arg6[%dma_wait3A_110, %dma_wait3A_112, %dma_wait3A_113] : memref<3x16x2048xf32, #tpu.memory_space<vmem>> -> memref<1x16x2048xf32, #tpu.memory_space<vmem>>
    %dma_wait3A_115 = tpu.memref_squeeze %dma_wait3A_114 : memref<1x16x2048xf32, #tpu.memory_space<vmem>> -> memref<16x2048xf32, #tpu.memory_space<vmem>>
    %dma_wait3A_116 = arith.constant 0 : i32
    %dma_wait3A_117 = tpu.memref_slice %arg4[%select_n3A, %multiple_of3A_109, %dma_wait3A_116] : memref<4x2048x2048xf32, #tpu.memory_space<hbm>> -> memref<1x16x2048xf32, #tpu.memory_space<hbm>>
    %dma_wait3A_118 = tpu.memref_squeeze %dma_wait3A_117 : memref<1x16x2048xf32, #tpu.memory_space<hbm>> -> memref<16x2048xf32, #tpu.memory_space<hbm>>
    %dma_wait3A_119 = tpu.memref_slice %arg8[%dma_wait3A_111] : memref<3x!tpu.dma_semaphore, #tpu.memory_space<semaphore_mem>> -> memref<1x!tpu.dma_semaphore, #tpu.memory_space<semaphore_mem>>
    %dma_wait3A_120 = tpu.memref_squeeze %dma_wait3A_119 : memref<1x!tpu.dma_semaphore, #tpu.memory_space<semaphore_mem>> -> memref<!tpu.dma_semaphore, #tpu.memory_space<semaphore_mem>>
    %dma_wait3A_121 = arith.constant 0 : i32
    %dma_wait3A_122 = tpu.memref_slice %arg4[%select_n3A, %multiple_of3A_109, %dma_wait3A_121] : memref<4x2048x2048xf32, #tpu.memory_space<hbm>> -> memref<1x16x2048xf32, #tpu.memory_space<hbm>>
    %dma_wait3A_123 = tpu.memref_squeeze %dma_wait3A_122 : memref<1x16x2048xf32, #tpu.memory_space<hbm>> -> memref<16x2048xf32, #tpu.memory_space<hbm>>
    %dma_wait3A_124 = arith.constant 0 : i32
    %dma_wait3A_125 = arith.constant 0 : i32
    %dma_wait3A_126 = tpu.memref_slice %arg6[%dma_wait3A_110, %dma_wait3A_124, %dma_wait3A_125] : memref<3x16x2048xf32, #tpu.memory_space<vmem>> -> memref<1x16x2048xf32, #tpu.memory_space<vmem>>
    %dma_wait3A_127 = tpu.memref_squeeze %dma_wait3A_126 : memref<1x16x2048xf32, #tpu.memory_space<vmem>> -> memref<16x2048xf32, #tpu.memory_space<vmem>>
    tpu.wait_dma2 semaphore(%dma_wait3A_120 : memref<!tpu.dma_semaphore, #tpu.memory_space<semaphore_mem>>) src(%dma_wait3A_127 : memref<16x2048xf32, #tpu.memory_space<vmem>>) dst(%dma_wait3A_123 : memref<16x2048xf32, #tpu.memory_space<hbm>>)
    return
  }
}

</mosaic_0001>

<sc_bundles>
// kernel: _pe_slice.3.cloned.1.call-start
scs
__scs_entry_jumppad:
0x0: {  	(pc) =	sbr.rel $0x88, $3  }
0x1: {  	(tag) =	ssettag $0x0;
	lr =	simm.s32 $0x1  }
0x2: {  	[smem:$0x3F9F] =	sst lr;
	_ =	strace $0xD0000000  }
0x3: {  	_ = 	snop  }
0x4: {  	_ = 	snop  }
0x5: {  	_ = 	snop  }
0x6: {  	_ = 	snop  }
0x7: {  	_ = 	snop  }
__scs_overlays_trampoline_lowered:
0x8: {  	[smem:$0x3FAE] =	sst s0  }
0x9: {  	[smem:$0x3FAF] =	sst s1  }
0xa: {  	[smem:$0x3FB0] =	sst s2  }
0xb: {  	[smem:$0x3FB1] =	sst s3  }
0xc: {  	[smem:$0x3FB2] =	sst s4  }
0xd: {  	[smem:$0x3FB3] =	sst s5  }
0xe: {  	[smem:$0x3FB4] =	sst s6  }
0xf: {  	[smem:$0x3FB5] =	sst s7  }
0x10: {  	[smem:$0x3FB6] =	sst s8  }
0x11: {  	[smem:$0x3FB7] =	sst s9;
	s0 =	simm.s32 @!p0 $0x0  }
0x12: {  	s1 =	sld [smem:$0x3F9D];
	s0 =	simm.s32 @p0 $0x1  }
0x13: {  	[smem:$0x3FB8] =	sst s0;
	s0 =	simm.s32 @!p1 $0x0  }
0x14: {  	s2 =	sld [smem:$0x3F9C];
	s0 =	simm.s32 @p1 $0x1  }
0x15: {  	[smem:$0x3FB9] =	sst s0;
	s0 =	simm.s32 @!p2 $0x0  }
0x16: {  	s3 =	sld [smem:$0x3FDB];
	s0 =	simm.s32 @p2 $0x1  }
0x17: {  	s4 =	simm.s32 $0x1BF5;
	[smem:$0x3FBB] =	sst s0  }
0x18: {  	s0 =	sld [smem:$0x3F9E];
	_ =	swait.ge [sflag:s4], $0x0  }
0x19: {  	s7 =	sld [smem:$0x3F9F]  }
0x1a: {  	s8 =	sadd.s32 $0xFFFFE003, lr  }
0x1b: {  	s9 =	sadd.s32 $0xFFFFFEF7, lr;
	s5 =	simm.s32 $0xFFFFFFFF;
	p2 =	slt.u32 s8, $0xFFFFF086  }
0x1c: {  	p1 =	slt.u32 s9, $0xF7A;
	s5 =	simm.s32 @!p2 $0x0  }
0x1d: {  	s5 =	simm.s32 @p1 $0x1;
	p0 =	seq.s32 s7, s2  }
0x1e: {  	s7 =	smul.u32 @!p0 $0xF7A, s2;
	p2 =	seq.s32 @!p0 s5, $0x0  }
0x1f: {  	s9 =	smul.u32 $0xF7A, s1;
	s8 =	simm.s32 @!p0 $0x1BF5;
	p2 =	por !p2, p0  }
0x20: {  	[sflag:s8] =	ssyncset.s32 @!p0 $0xFFFFF086;
	s6 =	sadd.s32 @!p0 s3, s7;
	s7 =	simm.s32 @!p0 $0x108  }
0x21: {  	s3 =	sadd.s32 s3, s9;
	s6 =	sadd.s32 @!p0 $0x88, s6;
	s7 =	simm.s32 @p2 $0x1082  }
0x22: {  	[simem:s7], [sflag:s8] =	dma.local @!p0 [hbm:s6], $0xF7A  }
0x23: {  	s9 =	sor.u32 $0xD0000000, s2;
	s6 =	simm.s32 $0x108;
	_ =	swait.ge @!p0 [sflag:s8], $0x0  }
0x24: {  	s3 =	sadd.s32 $0x88, s3;
	s6 =	simm.s32 @!p1 $0x1082;
	[sflag:s4] =	ssyncset.s32 $0xFFFFF086  }
0x25: {  	[simem:s6], [sflag:s4] =	dma.local [hbm:s3], $0xF7A  }
0x26: {  	[smem:$0x3F9F] =	sst s1;
	(tag) =	ssettag s2;
	_ =	strace s9  }
0x27: {  	s1 =	sld [smem:$0x3FAF]  }
0x28: {  	s2 =	sld [smem:$0x3FB0]  }
0x29: {  	s4 =	sld [smem:$0x3FB2]  }
0x2a: {  	p0 =	seq.s32 s5, $0x0;
	s5 =	sld [smem:$0x3FB3]  }
0x2b: {  	s6 =	sld [smem:$0x3FB4]  }
0x2c: {  	s7 =	sld [smem:$0x3FB5]  }
0x2d: {  	s3 =	simm.s32 $0x108;
	s8 =	sld [smem:$0x3FB6]  }
0x2e: {  	s3 =	simm.s32 @!p0 $0x1082;
	s9 =	sld [smem:$0x3FB7]  }
0x2f: {  	lr =	sadd.s32 s0, s3;
	s0 =	sld [smem:$0x3FAE]  }
0x30: {  	s3 =	sld [smem:$0x3FB1]  }
0x31: {  	[smem:$0x3FBA] =	sst s10  }
0x32: {  	s10 =	sld [smem:$0x3FB8];
	_ =	sdelay $0x3  }
0x33: {  	p0 =	seq.s32 s10, $0x1;
	s10 =	sld [smem:$0x3FBA];
	_ =	sdelay $0x3  }
0x34: {  	[smem:$0x3FBA] =	sst s10  }
0x35: {  	s10 =	sld [smem:$0x3FB9];
	_ =	sdelay $0x3  }
0x36: {  	p1 =	seq.s32 s10, $0x1;
	s10 =	sld [smem:$0x3FBA];
	_ =	sdelay $0x3  }
0x37: {  	[smem:$0x3FBA] =	sst s10  }
0x38: {  	s10 =	sld [smem:$0x3FBB]  }
0x39: {  	_ = 	snop;
	(pc) =	sbr.ind lr, $3  }
0x3a: {  	_ = 	snop  }
0x3b: {  	_ = 	snop  }
0x3c: {  	p2 =	seq.s32 s10, $0x1;
	s10 =	sld [smem:$0x3FBA]  }
0x3d: {  	_ =	shalt  }
0x3e: {  	_ =	shalt  }
0x3f: {  	_ =	shalt  }
0x40: {  	_ =	shalt  }
0x41: {  	_ =	shalt  }
0x42: {  	_ =	shalt  }
0x43: {  	_ =	shalt  }
0x44: {  	_ =	shalt  }
0x45: {  	_ =	shalt  }
0x46: {  	_ =	shalt  }
0x47: {  	_ =	shalt  }
0x48: {  	_ =	shalt  }
0x49: {  	_ =	shalt  }
0x4a: {  	_ =	shalt  }
0x4b: {  	_ =	shalt  }
0x4c: {  	_ =	shalt  }
0x4d: {  	_ =	shalt  }
0x4e: {  	_ =	shalt  }
0x4f: {  	_ =	shalt  }
0x50: {  	_ =	shalt  }
0x51: {  	_ =	shalt  }
0x52: {  	_ =	shalt  }
0x53: {  	_ =	shalt  }
0x54: {  	_ =	shalt  }
0x55: {  	_ =	shalt  }
0x56: {  	_ =	shalt  }
0x57: {  	_ =	shalt  }
0x58: {  	_ =	shalt  }
0x59: {  	_ =	shalt  }
0x5a: {  	_ =	shalt  }
0x5b: {  	_ =	shalt  }
0x5c: {  	_ =	shalt  }
0x5d: {  	_ =	shalt  }
0x5e: {  	_ =	shalt  }
0x5f: {  	_ =	shalt  }
0x60: {  	_ =	shalt  }
0x61: {  	_ =	shalt  }
0x62: {  	_ =	shalt  }
0x63: {  	_ =	shalt  }
0x64: {  	_ =	shalt  }
0x65: {  	_ =	shalt  }
0x66: {  	_ =	shalt  }
0x67: {  	_ =	shalt  }
0x68: {  	_ =	shalt  }
0x69: {  	_ =	shalt  }
0x6a: {  	_ =	shalt  }
0x6b: {  	_ =	shalt  }
0x6c: {  	_ =	shalt  }
0x6d: {  	_ =	shalt  }
0x6e: {  	_ =	shalt  }
0x6f: {  	_ =	shalt  }
0x70: {  	_ =	shalt  }
0x71: {  	_ =	shalt  }
0x72: {  	_ =	shalt  }
0x73: {  	_ =	shalt  }
0x74: {  	_ =	shalt  }
0x75: {  	_ =	shalt  }
0x76: {  	_ =	shalt  }
0x77: {  	_ =	shalt  }
0x78: {  	_ =	shalt  }
0x79: {  	_ =	shalt  }
0x7a: {  	_ =	shalt  }
0x7b: {  	_ =	shalt  }
0x7c: {  	_ =	shalt  }
0x7d: {  	_ =	shalt  }
0x7e: {  	_ =	shalt  }
0x7f: {  	_ =	shalt  }
0x80: {  	_ =	shalt  }
0x81: {  	_ =	shalt  }
0x82: {  	_ =	shalt  }
0x83: {  	_ =	shalt  }
0x84: {  	_ =	shalt  }
0x85: {  	_ =	shalt  }
0x86: {  	_ =	shalt  }
0x87: {  	_ =	shalt  }
.Lfunc_end0:
.L_simem_size_0:
called_computation_lowered:
.L_overlay_start_0:
0x88: {  	s2 =	sld [smem:$0x3FD9]  }
0x89: {  	s3 =	sld [smem:$0x3FFE];
	_ =	sdelay $0x1  }
0x8a: {  	s1 =	srdreg.scid  }
0x8b: {  	s0 =	sand.u32 $0x1, s1  }
0x8c: {  	s18 =	sshll.u32 s0, $0xA;
	s2 =	sadd.s32 s3, s2  }
0x8d: {  	s2 =	sadd.s32 s2, s18  }
0x8e: {  	[smem:$0x3FC6] =	sst s2  }
0x8f: {  	_ = 	snop  }
0x90: {  	s2 =	sld [smem:$0x3FC9]  }
0x91: {  	s19 =	sld [smem:$0x3FC8]  }
0x92: {  	s4 =	sld [smem:$0x3FD0];
	(tm) =	ssettm $0x1  }
0x93: {  	s5 =	sld [smem:$0x3FFB];
	_ =	sdelay $0x3  }
0x94: {  	_ =	strace s5  }
0x95: {  	s5 =	sld [smem:$0x3FFC];
	_ =	sdelay $0x3  }
0x96: {  	_ =	strace s5  }
0x97: {  	s5 =	sld [smem:$0x3FFD];
	_ =	sdelay $0x3  }
0x98: {  	_ =	strace s5  }
0x99: {  	_ =	strace $0x8FFFFFFF  }
0x9a: {  	s20 =	sld [smem:$0x3FDB];
	_ =	sdelay $0x1  }
0x9b: {  	s6 =	simm.s32 $_scs_section_size  }
0x9c: {  	s7 =	simm.s32 $_size__tile_overlayer_lowered;
	s8 =	simm.s32 $_tile_overlayer_lowered  }
0x9d: {  	s23 =	simm.s32 $0x1BFF;
	s22 =	sshll.u32 s8, $0x1;
	s5 =	sadd.s32 s6, s20  }
0x9e: {  	s9 =	simm.s32 $0x0;
	s21 =	sshll.u32 s7, $0x1;
	s7 =	sadd.s32 s22, s5  }
0x9f: {  	[timem:s9], [sflag:s23] =	dma.local [hbm:s7], s21  }
0xa0: {  	_ =	swait.ge [sflag:s23], s21  }
0xa1: {  	s6 =	ssub.s32 $0x0, s21;
	[sflag:s23] =	ssyncset.done $0x0  }
0xa2: {  	[sflag:s23] =	ssyncadd.s32 s6;
	_ =	sdelay $0x1  }
0xa3: {  	s24 =	simm.s32 $0x1B8B  }
0xa4: {  	_ =	swait.ge [sflag:s24], $0x1  }
0xa5: {  	[sflag:s24] =	ssyncset.done $0x0  }
0xa6: {  	s25 =	simm.s32 $0x1B8E;
	[sflag:s24] =	ssyncadd.s32 $0xFFFFFFFF  }
0xa7: {  	s26 =	simm.s32 $execute0_lowered;
	[smem:$0x3FD2] =	sst s25  }
0xa8: {  	s6 =	sshll.u32 s26, $0x1;
	_ =	strace $0x80000046;
	[dreg:$0x1] =	wrdreg $0xFFFFFFFF  }
0xa9: {  	s28 =	simm.s32 $_size_execute0_lowered;
	s5 =	sadd.s32 s5, s6;
	[dreg:$0x0] =	wrdreg $0x0  }
0xaa: {  	s6 =	sshll.u32 s28, $0x1;
	[dreg:$0x2] =	wrdreg s5  }
0xab: {  	[dreg:$0x3] =	wrdreg s6  }
0xac: {  	[dreg:$0x4] =	wrdreg $0xC0  }
0xad: {  	_ =	task [dreg:s9], $0x5FFFF  }
0xae: {  	[dreg:$0x1] =	wrdreg $0xFFFFFFFF  }
0xaf: {  	[dreg:$0x0] =	wrdreg $0x60  }
0xb0: {  	[dreg:$0x2] =	wrdreg s2  }
0xb1: {  	[dreg:$0x3] =	wrdreg s19  }
0xb2: {  	[dreg:$0x4] =	wrdreg s4  }
0xb3: {  	[dreg:$0x5] =	wrdreg $0x9  }
0xb4: {  	_ =	task.clear_ibuf [dreg:s9], $0x6FFFF;
	_ =	strace $0x90000046  }
0xb5: {  	s29 =	simm.s32 $0x9;
	_ =	strace $0x80000048  }
0xb6: {  	_ =	swait.ge [sflag:s29], $0x1  }
0xb7: {  	[sflag:s29] =	ssyncadd.s32 $0xFFFFFFFF  }
0xb8: {  	_ =	strace $0x90000048  }
0xb9: {  	_ =	sfence  }
0xba: {  	s30 =	sld [smem:$0x0];
	_ =	sdelay $0x2  }
0xbb: {  	s31 =	sshll.u32 s1, $0xD;
	s1 =	sshrl.u32 s1, $0x2  }
0xbc: {  	s3 =	sand.u32 $0x4000, s31;
	s1 =	sadd.s32 s1, s30  }
0xbd: {  	s0 =	sor.u32 s3, s0;
	s1 =	sshll.u32 s1, $0x11  }
0xbe: {  	s0 =	sor.u32 s1, s0  }
0xbf: {  	s0 =	sadd.s32 $0x8F2B, s0  }
0xc0: {  	[sflag:s0] =	ssyncadd.remote.s32 $0x1  }
0xc1: {  	_ =	sfence.sel $0xFFFF  }
0xc2: {  	[dreg:$0x0] =	wrdreg $0xFFFFFFFF;
	(pc) =	sbr.abs _section_cstart, $3  }
0xc3: {  	[dreg:$0x1] =	wrdreg $0xFFFFFFFF  }
0xc4: {  	_ =	task.clear_ibuf [dreg:s9], $0x2FFFF;
	_ =	strace $0x9FFFFFFF  }
0xc5: {  	(tm) =	ssettm $0x7FFFFFFF  }
tec
execute0_lowered:
.L_overlay_start_1:
0x0: {  	(tag) =	ssettag $0x1  }
0x1: {  	s0 =	rddreg [dreg:$0x0]  }
0x2: {  	s1 =	rddreg [dreg:$0x1]  }
0x3: {  	s2 =	rddreg [dreg:$0x2];
	s3 =	simm.s32 $0x0  }
0x4: {  	s4 =	srdreg.scid;
	s14 =	stileid.u32;
	s19 =	simm.s32 $0x80  }
0x5: {  	s20 =	simm.s32 $0x8080;
	s21 =	simm.s32 $0x5;
	s22 =	simm.s32 $0x6  }
0x6: {  	s23 =	simm.s32 $0x4;
	s28 =	simm.s32 $0x0;
	[smem:$0x7FF] =	sst s3  }
0x7: {  	s16 =	sand.u32 $0x1, s4;
	s5 =	sshll.u32 s14, $0x1;
	s15 =	sshrl.u32 s14, $0x2  }
0x8: {  	s7 =	sadd.s32 $0x200, s1;
	s8 =	sadd.s32 $0x300, s1;
	s9 =	sadd.s32 $0x400, s1  }
0x9: {  	s10 =	sadd.s32 $0x500, s1;
	s11 =	sadd.s32 $0x600, s1;
	s12 =	sadd.s32 $0x700, s1  }
0xa: {  	s26 =	sadd.s32 $0x1000, s1;
	s30 =	sand.u32 $0x3, s14;
	_ =	strace $0x80000047  }
0xb: {  	s4 =	ssub.s32 $0x2, s16;
	s5 =	sand.u32 $0x6, s5;
	s25 =	sshll.u32 s15, $0x1  }
0xc: {  	[dreg:$0x4] =	wrdreg s26;
	s29 =	sshll.u32 s15, $0x13;
	s31 =	sshll.u32 s30, $0x11  }
0xd: {  	s18 =	sshll.u32 s16, $0x8;
	s6 =	sshrl.u32 s4, $0x1;
	s24 =	sor.u32 s16, s5  }
.Ltmp0:
0xe: {  	s5 =	sadd.s32 s0, s25;
	s0 =	sadd.s32 s29, s2;
	(pc) =	sbr.rel .LBB2_1-.Ltmp0, $4  }
0xf: {  	s2 =	sshll.u32 s30, $0x9;
	s16 =	sshll.u32 s16, $0x10;
	s17 =	ssub.s32 s4, s6  }
0x10: {  	v0 =	vlaneseq.u32;
	s4 =	sshll.u32 s24, $0x8;
	s6 =	sadd.s32 $0x100, s1;
	s0 =	sadd.s32 s31, s0  }
0x11: {  	vm0 =	vmmov $0xffff;
	v2 =	vshrl.u32 v0, $0x3;
	s2 =	sor.u32 s18, s2;
	s18 =	simm.s32 $0x7;
	s13 =	sor.u32 $0x10, s4  }
0x12: {  	v1 =	vand.u32 $0x7, v0;
	v3 =	vor.u32 $0x8, v0;
	v2 =	vmul.u32 $0x8, v2;
	s15 =	smax.u32 s17, $0x1;
	s0 =	sadd.s32 s16, s0;
	s17 =	sor.u32 $0x20, s2  }
.LBB2_8:
0x13: {  	_ =	swait.ge [sflag:s21], $0x8000  }
0x14: {  	[sflag:s21] =	ssyncset.done $0x0  }
0x15: {  	s28 =	sadd.s32 $0x1, s28;
	[sflag:s21] =	ssyncadd.s32 $0xFFFF8000  }
0x16: {  	p0 =	sne.s32 s28, s15;
	_ =	swait.ge [sflag:s22], $0x8000  }
.Ltmp1:
0x17: {  	[sflag:s22] =	ssyncset.done $0x0;
	(pc) =	sbr.rel @!p0 .LBB2_9-.Ltmp1, $4  }
0x18: {  	[sflag:s22] =	ssyncadd.s32 $0xFFFF8000  }
0x19: {  	_ =	swait.ge [sflag:s23], $0x8000  }
0x1a: {  	[sflag:s23] =	ssyncset.done $0x0  }
0x1b: {  	[sflag:s23] =	ssyncadd.s32 $0xFFFF8000  }
.LBB2_1:
0x1c: {  	[tilespmem:s3], [sflag:$0x7] =	stream.linear.gather [hbm4b:s5+s3], $0x10, $0x38;
	[tilespmem:$0x18080] =	vst v63  }
0x1d: {  	_ =	swait.ge [sflag:s18], $0x10  }
0x1e: {  	[sflag:s18] =	ssyncset.done $0x0  }
0x1f: {  	[sflag:s18] =	ssyncadd.s32 $0xFFFFFFF0  }
0x20: {  	v4 =	vld [tilespmem:$0x0];
	_ =	sdelay $0x4  }
0x21: {  	v4 =	vxor.u32 $0x80000000, v4  }
0x22: {  	(xrf0) =	vmin.scan.msk.u32 $0xffff, v4;
	_ =	sdelay $0x5  }
0x23: {  	v4, _, _ =	vpop (xrf0)  }
0x24: {  	(v2sf) =	vpush v4, $0xF;
	_ =	sdelay $0xe  }
0x25: {  	s16 =	spop (v2sf)  }
0x26: {  	s16 =	sxor.u32 $0x80000000, s16  }
0x27: {  	p0 =	sgt.s32 s16, $0x0  }
0x28: {  	s16 =	simm.s32 @!p0 $0x0  }
0x29: {  	s16 =	smin.u32 s16, $0x1800  }
0x2a: {  	s29 =	sand.u32 $0x7, s16  }
0x2b: {  	p0 =	sne.s32 s29, $0x0  }
.Ltmp2:
0x2c: {  	_ = 	snop;
	(pc) =	sbr.rel @!p0 .LBB2_2-.Ltmp2, $4  }
0x2d: {  	_ = 	snop  }
0x2e: {  	s30 =	sadd.s32 s4, s16  }
0x2f: {  	s31 =	sshll.u32 s30, $0x8  }
0x30: {  	s29 =	sadd.s32 s1, s31  }
0x31: {  	v4 =	vadd.s32 s30, v0  }
0x32: {  	v5 =	vshll.u32 v4, $0x4  }
0x33: {  	v4 =	vand.u32 $0x7, v4;
	v5 =	vand.u32 $0x7FF80, v5  }
0x34: {  	v4 =	vor.u32 v4, v5  }
0x35: {  	v5 =	vperm.xlane v4, v1;
	_ =	sdelay $0x1  }
0x36: {  	v5 =	vadd.s32 v2, v5;
	_ =	sdelay $0x4  }
0x37: {  	[tilespmem:s19], [sflag:$0x1] =	stream.indirect_vreg.gather [hbm4b:s1+s3], $0x80, v5, vm0, $0xb8;
	[tilespmem:$0x18080] =	vst v63  }
0x38: {  	s2 =	simm.s32 $0x880  }
0x39: {  	[tilespmem:s2], [sflag:$0x1] =	stream.indirect_vreg.gather [hbm4b:s6+s3], $0x80, v5, vm0, $0xb8;
	[tilespmem:$0x18080] =	vst v63  }
0x3a: {  	s14 =	simm.s32 $0x1080  }
0x3b: {  	[tilespmem:s14], [sflag:$0x1] =	stream.indirect_vreg.gather [hbm4b:s7+s3], $0x80, v5, vm0, $0xb8;
	[tilespmem:$0x18080] =	vst v63  }
0x3c: {  	s24 =	simm.s32 $0x1880  }
0x3d: {  	[tilespmem:s24], [sflag:$0x1] =	stream.indirect_vreg.gather [hbm4b:s8+s3], $0x80, v5, vm0, $0xb8;
	[tilespmem:$0x18080] =	vst v63  }
0x3e: {  	s25 =	simm.s32 $0x2080  }
0x3f: {  	[tilespmem:s25], [sflag:$0x1] =	stream.indirect_vreg.gather [hbm4b:s9+s3], $0x80, v5, vm0, $0xb8;
	[tilespmem:$0x18080] =	vst v63  }
0x40: {  	s26 =	simm.s32 $0x2880;
	v4 =	vperm.xlane v4, v3  }
0x41: {  	[tilespmem:s26], [sflag:$0x1] =	stream.indirect_vreg.gather [hbm4b:s10+s3], $0x80, v5, vm0, $0xb8;
	[tilespmem:$0x18080] =	vst v63  }
0x42: {  	s30 =	simm.s32 $0x3080;
	v4 =	vadd.s32 v2, v4  }
0x43: {  	[tilespmem:s30], [sflag:$0x1] =	stream.indirect_vreg.gather [hbm4b:s11+s3], $0x80, v5, vm0, $0xb8;
	[tilespmem:$0x18080] =	vst v63  }
0x44: {  	s31 =	simm.s32 $0x3880  }
0x45: {  	[tilespmem:s31], [sflag:$0x1] =	stream.indirect_vreg.gather [hbm4b:s12+s3], $0x80, v5, vm0, $0xb8;
	[tilespmem:$0x18080] =	vst v63  }
0x46: {  	s14 =	simm.s32 $0x4080  }
0x47: {  	[tilespmem:s14], [sflag:$0x1] =	stream.indirect_vreg.gather [hbm4b:s1+s3], $0x80, v4, vm0, $0xb8;
	[tilespmem:$0x18080] =	vst v63  }
0x48: {  	s24 =	simm.s32 $0x4880  }
0x49: {  	[tilespmem:s24], [sflag:$0x1] =	stream.indirect_vreg.gather [hbm4b:s6+s3], $0x80, v4, vm0, $0xb8;
	[tilespmem:$0x18080] =	vst v63  }
0x4a: {  	s25 =	simm.s32 $0x5080;
	s26 =	sadd.s32 s13, s16  }
0x4b: {  	[tilespmem:s25], [sflag:$0x1] =	stream.indirect_vreg.gather [hbm4b:s7+s3], $0x80, v4, vm0, $0xb8;
	[tilespmem:$0x18080] =	vst v63  }
0x4c: {  	s30 =	simm.s32 $0x5880;
	v5 =	vadd.s32 s26, v0  }
0x4d: {  	v6 =	vshll.u32 v5, $0x4;
	[tilespmem:s30], [sflag:$0x1] =	stream.indirect_vreg.gather [hbm4b:s8+s3], $0x80, v4, vm0, $0xb8;
	[tilespmem:$0x18080] =	vst v63  }
0x4e: {  	s31 =	simm.s32 $0x6080;
	v5 =	vand.u32 $0x7, v5;
	v6 =	vand.u32 $0x7FFFFF80, v6  }
0x4f: {  	v5 =	vor.u32 v5, v6;
	[tilespmem:s31], [sflag:$0x1] =	stream.indirect_vreg.gather [hbm4b:s9+s3], $0x80, v4, vm0, $0xb8;
	[tilespmem:$0x18080] =	vst v63  }
0x50: {  	s14 =	simm.s32 $0x6880;
	v6 =	vperm.xlane v5, v1  }
0x51: {  	[tilespmem:s14], [sflag:$0x1] =	stream.indirect_vreg.gather [hbm4b:s10+s3], $0x80, v4, vm0, $0xb8;
	[tilespmem:$0x18080] =	vst v63  }
0x52: {  	s24 =	simm.s32 $0x7080;
	v6 =	vadd.s32 v2, v6  }
0x53: {  	[tilespmem:s24], [sflag:$0x1] =	stream.indirect_vreg.gather [hbm4b:s11+s3], $0x80, v4, vm0, $0xb8;
	[tilespmem:$0x18080] =	vst v63  }
0x54: {  	s25 =	simm.s32 $0x7880  }
0x55: {  	[tilespmem:s25], [sflag:$0x1] =	stream.indirect_vreg.gather [hbm4b:s12+s3], $0x80, v4, vm0, $0xb8;
	[tilespmem:$0x18080] =	vst v63  }
0x56: {  	_ = 	snop  }
0x57: {  	[tilespmem:s20], [sflag:$0x2] =	stream.indirect_vreg.gather [hbm4b:s1+s3], $0x80, v6, vm0, $0xb8;
	[tilespmem:$0x18080] =	vst v63  }
0x58: {  	s26 =	simm.s32 $0x8880  }
0x59: {  	[tilespmem:s26], [sflag:$0x2] =	stream.indirect_vreg.gather [hbm4b:s6+s3], $0x80, v6, vm0, $0xb8;
	[tilespmem:$0x18080] =	vst v63  }
0x5a: {  	s30 =	simm.s32 $0x9080  }
0x5b: {  	[tilespmem:s30], [sflag:$0x2] =	stream.indirect_vreg.gather [hbm4b:s7+s3], $0x80, v6, vm0, $0xb8;
	[tilespmem:$0x18080] =	vst v63  }
0x5c: {  	s31 =	simm.s32 $0x9880  }
0x5d: {  	[tilespmem:s31], [sflag:$0x2] =	stream.indirect_vreg.gather [hbm4b:s8+s3], $0x80, v6, vm0, $0xb8;
	[tilespmem:$0x18080] =	vst v63  }
0x5e: {  	s14 =	simm.s32 $0xA080  }
0x5f: {  	[tilespmem:s14], [sflag:$0x2] =	stream.indirect_vreg.gather [hbm4b:s9+s3], $0x80, v6, vm0, $0xb8;
	[tilespmem:$0x18080] =	vst v63  }
0x60: {  	s24 =	simm.s32 $0xA880;
	v4 =	vperm.xlane v5, v3  }
0x61: {  	[tilespmem:s24], [sflag:$0x2] =	stream.indirect_vreg.gather [hbm4b:s10+s3], $0x80, v6, vm0, $0xb8;
	[tilespmem:$0x18080] =	vst v63  }
0x62: {  	s25 =	simm.s32 $0xB080;
	v4 =	vadd.s32 v2, v4  }
0x63: {  	[tilespmem:s25], [sflag:$0x2] =	stream.indirect_vreg.gather [hbm4b:s11+s3], $0x80, v6, vm0, $0xb8;
	[tilespmem:$0x18080] =	vst v63  }
0x64: {  	s26 =	simm.s32 $0xB880  }
0x65: {  	[tilespmem:s26], [sflag:$0x2] =	stream.indirect_vreg.gather [hbm4b:s12+s3], $0x80, v6, vm0, $0xb8;
	[tilespmem:$0x18080] =	vst v63  }
0x66: {  	s30 =	simm.s32 $0xC080  }
0x67: {  	[tilespmem:s30], [sflag:$0x2] =	stream.indirect_vreg.gather [hbm4b:s1+s3], $0x80, v4, vm0, $0xb8;
	[tilespmem:$0x18080] =	vst v63  }
0x68: {  	s31 =	simm.s32 $0xC880  }
0x69: {  	[tilespmem:s31], [sflag:$0x2] =	stream.indirect_vreg.gather [hbm4b:s6+s3], $0x80, v4, vm0, $0xb8;
	[tilespmem:$0x18080] =	vst v63  }
0x6a: {  	s14 =	simm.s32 $0xD080  }
0x6b: {  	[tilespmem:s14], [sflag:$0x2] =	stream.indirect_vreg.gather [hbm4b:s7+s3], $0x80, v4, vm0, $0xb8;
	[tilespmem:$0x18080] =	vst v63  }
0x6c: {  	s24 =	simm.s32 $0xD880  }
0x6d: {  	[tilespmem:s24], [sflag:$0x2] =	stream.indirect_vreg.gather [hbm4b:s8+s3], $0x80, v4, vm0, $0xb8;
	[tilespmem:$0x18080] =	vst v63  }
0x6e: {  	s25 =	simm.s32 $0xE080  }
0x6f: {  	[tilespmem:s25], [sflag:$0x2] =	stream.indirect_vreg.gather [hbm4b:s9+s3], $0x80, v4, vm0, $0xb8;
	[tilespmem:$0x18080] =	vst v63  }
0x70: {  	s26 =	simm.s32 $0xE880  }
0x71: {  	[tilespmem:s26], [sflag:$0x2] =	stream.indirect_vreg.gather [hbm4b:s10+s3], $0x80, v4, vm0, $0xb8;
	[tilespmem:$0x18080] =	vst v63  }
.Ltmp3:
0x72: {  	_ = 	snop;
	(pc) =	sbr.rel .LBB2_4-.Ltmp3, $4  }
0x73: {  	s30 =	simm.s32 $0xF080  }
0x74: {  	[tilespmem:s30], [sflag:$0x2] =	stream.indirect_vreg.gather [hbm4b:s11+s3], $0x80, v4, vm0, $0xb8;
	[tilespmem:$0x18080] =	vst v63  }
0x75: {  	s31 =	simm.s32 $0xF880  }
0x76: {  	[tilespmem:s31], [sflag:$0x2] =	stream.indirect_vreg.gather [hbm4b:s12+s3], $0x80, v4, vm0, $0xb8;
	[tilespmem:$0x18080] =	vst v63  }
.LBB2_2:
0x77: {  	s29 =	sadd.s32 s1, s31;
	s2 =	rddreg [dreg:$0x4]  }
0x78: {  	[tilespmem:s19], [sflag:$0x1] =	stream.linear.gather [hbm4b:s29+s3], $0x8000, $0x38;
	[tilespmem:$0x18080] =	vst v63  }
0x79: {  	s30 =	sadd.s32 s31, s2  }
0x7a: {  	[tilespmem:s20], [sflag:$0x2] =	stream.linear.gather [hbm4b:s30+s3], $0x8000, $0x38;
	[tilespmem:$0x18080] =	vst v63  }
.LBB2_4:
.Ltmp4:
0x7b: {  	(pc) =	sbr.rel .LBB2_5-.Ltmp4, $3  }
0x7c: {  	_ =	sdelay $0x1  }
0x7d: {  	s29 =	sadd.s32 $0x2000, s29  }
0x7e: {  	s30 =	sadd.s32 s16, s17;
	s31 =	simm.s32 $0x0;
	vm1 =	vmmov @p0 $0xffff;
	s16 =	smov.u32 s0  }
.LBB2_7:
0x7f: {  	s2 =	smul.u32 $0xAB, s31;
	_ =	sdelay $0x1  }
0x80: {  	s2 =	sshrl.u32 s2, $0x9  }
0x81: {  	s2 =	sand.u32 $0x7F, s2  }
0x82: {  	s2 =	smul.u32 $0x3, s2;
	_ =	sdelay $0x1  }
0x83: {  	s2 =	ssub.s32 s31, s2  }
0x84: {  	s31 =	sadd.s32 $0x1, s31;
	s2 =	sand.u32 $0xFF, s2  }
0x85: {  	p1 =	sne.s32 s31, $0x10;
	s14 =	sadd.s32 $0x1, s2  }
.Ltmp5:
0x86: {  	_ =	swait.ge [sflag:s14], $0x8000;
	(pc) =	sbr.rel @!p1 .LBB2_8-.Ltmp5, $4  }
0x87: {  	s24 =	sshll.u32 s2, $0xF;
	[sflag:s14] =	ssyncset.done $0x0  }
0x88: {  	s2 =	sor.u32 $0x4, s2;
	s26 =	sor.u32 $0x80, s24;
	[sflag:s14] =	ssyncadd.s32 $0xFFFF8000  }
0x89: {  	[hbm4b:s16+s3] =	stream.linear.scatter [tilespmem:s26], [sflag:s2], $0x8000, $0x38;
	[tilespmem:$0x18080] =	vst v63  }
0x8a: {  	s29 =	sadd.s32 $0x1000, s29;
	s30 =	sadd.s32 $0x10, s30;
	s16 =	sadd.s32 $0x1000, s16  }
.LBB2_5:
0x8b: {  	p1 =	sgt.u32 s31, $0xD  }
.Ltmp6:
0x8c: {  	_ = 	snop;
	(pc) =	sbr.rel @p1 .LBB2_7-.Ltmp6, $1  }
0x8d: {  	_ =	sdelay $0x3  }
0x8e: {  	p1 =	seq.s32 s31, $0x0  }
0x8f: {  	s2 =	sadd.s32 @!p1 $0xFFFFFFFF, s31  }
0x90: {  	s24 =	sand.u32 @!p1 $0xFF, s2  }
0x91: {  	v4 =	vlaneseq.u32 @p0;
	s24 =	smul.u32 @!p1 $0xAB, s24  }
0x92: {  	s25 =	sadd.s32 $0x2, s31;
	v5 =	vadd.s32 @p0 s30, v4  }
0x93: {  	s26 =	smul.u32 $0xAB, s25;
	v6 =	vshll.u32 @p0 v5, $0x4;
	s24 =	sshrl.u32 @!p1 s24, $0x9  }
0x94: {  	v5 =	vand.u32 @p0 $0x7, v5;
	v6 =	vand.u32 @p0 $0xFFFFFF80, v6;
	s24 =	smul.u32 @!p1 $0x3, s24  }
0x95: {  	v7 =	vshrl.u32 @p0 v4, $0x3;
	s26 =	sshrl.u32 s26, $0x9;
	v5 =	vor.u32 @p0 v5, v6;
	v6 =	vand.u32 @p0 $0x7, v4  }
0x96: {  	v7 =	vmul.u32 @p0 $0x8, v7;
	s26 =	sand.u32 $0x7F, s26;
	v6 =	vperm.xlane @p0 v5, v6;
	s2 =	ssub.s32 @!p1 s2, s24  }
0x97: {  	s24 =	smul.u32 $0x3, s26;
	s2 =	sor.u32 @!p1 $0x4, s2  }
0x98: {  	v6 =	vadd.s32 @p0 v7, v6;
	s2 =	sand.u32 @!p1 $0xFF, s2  }
0x99: {  	s24 =	ssub.s32 s25, s24;
	_ =	swait.ge @!p1 [sflag:s2], $0x8000  }
0x9a: {  	s24 =	sand.u32 $0xFF, s24;
	[sflag:s2] =	ssyncset.done @!p1 $0x0  }
0x9b: {  	[sflag:s2] =	ssyncadd.s32 @!p1 $0xFFFF8000;
	s2 =	sshll.u32 @p0 s24, $0xF  }
0x9c: {  	s14 =	simm.s32 @p0 $0x0;
	s26 =	sadd.s32 @p0 $0x1, s24;
	s25 =	sor.u32 @p0 $0x80, s2  }
0x9d: {  	[tilespmem:s25], [sflag:s26] =	stream.indirect_vreg.gather @p0 [hbm4b:s1+s14], $0x80, v6, vm1, $0xb8;
	[tilespmem:$0x18080] =	vst v63  }
0x9e: {  	s25 =	sor.u32 @p0 $0x880, s2  }
0x9f: {  	[tilespmem:s25], [sflag:s26] =	stream.indirect_vreg.gather @p0 [hbm4b:s6+s14], $0x80, v6, vm1, $0xb8;
	[tilespmem:$0x18080] =	vst v63  }
0xa0: {  	s25 =	sor.u32 @p0 $0x1080, s2  }
0xa1: {  	[tilespmem:s25], [sflag:s26] =	stream.indirect_vreg.gather @p0 [hbm4b:s7+s14], $0x80, v6, vm1, $0xb8;
	[tilespmem:$0x18080] =	vst v63  }
0xa2: {  	s25 =	sor.u32 @p0 $0x1880, s2  }
0xa3: {  	[tilespmem:s25], [sflag:s26] =	stream.indirect_vreg.gather @p0 [hbm4b:s8+s14], $0x80, v6, vm1, $0xb8;
	[tilespmem:$0x18080] =	vst v63  }
0xa4: {  	s25 =	sor.u32 @p0 $0x2080, s2  }
0xa5: {  	v4 =	vor.u32 @p0 $0x8, v4;
	[tilespmem:s25], [sflag:s26] =	stream.indirect_vreg.gather @p0 [hbm4b:s9+s14], $0x80, v6, vm1, $0xb8;
	[tilespmem:$0x18080] =	vst v63  }
0xa6: {  	v4 =	vperm.xlane @p0 v5, v4;
	s25 =	sor.u32 @p0 $0x2880, s2  }
0xa7: {  	[tilespmem:s25], [sflag:s26] =	stream.indirect_vreg.gather @p0 [hbm4b:s10+s14], $0x80, v6, vm1, $0xb8;
	[tilespmem:$0x18080] =	vst v63  }
0xa8: {  	v4 =	vadd.s32 @p0 v7, v4;
	s25 =	sor.u32 @p0 $0x3080, s2  }
0xa9: {  	[tilespmem:s25], [sflag:s26] =	stream.indirect_vreg.gather @p0 [hbm4b:s11+s14], $0x80, v6, vm1, $0xb8;
	[tilespmem:$0x18080] =	vst v63  }
0xaa: {  	s25 =	sor.u32 @p0 $0x3880, s2  }
0xab: {  	[tilespmem:s25], [sflag:s26] =	stream.indirect_vreg.gather @p0 [hbm4b:s12+s14], $0x80, v6, vm1, $0xb8;
	[tilespmem:$0x18080] =	vst v63  }
0xac: {  	s25 =	sor.u32 @p0 $0x4080, s2  }
0xad: {  	[tilespmem:s25], [sflag:s26] =	stream.indirect_vreg.gather @p0 [hbm4b:s1+s14], $0x80, v4, vm1, $0xb8;
	[tilespmem:$0x18080] =	vst v63  }
0xae: {  	s25 =	sor.u32 @p0 $0x4880, s2  }
0xaf: {  	[tilespmem:s25], [sflag:s26] =	stream.indirect_vreg.gather @p0 [hbm4b:s6+s14], $0x80, v4, vm1, $0xb8;
	[tilespmem:$0x18080] =	vst v63  }
0xb0: {  	s25 =	sor.u32 @p0 $0x5080, s2  }
0xb1: {  	[tilespmem:s25], [sflag:s26] =	stream.indirect_vreg.gather @p0 [hbm4b:s7+s14], $0x80, v4, vm1, $0xb8;
	[tilespmem:$0x18080] =	vst v63  }
0xb2: {  	s25 =	sor.u32 @p0 $0x5880, s2  }
0xb3: {  	[tilespmem:s25], [sflag:s26] =	stream.indirect_vreg.gather @p0 [hbm4b:s8+s14], $0x80, v4, vm1, $0xb8;
	[tilespmem:$0x18080] =	vst v63  }
0xb4: {  	s25 =	sor.u32 @p0 $0x6080, s2  }
0xb5: {  	[tilespmem:s25], [sflag:s26] =	stream.indirect_vreg.gather @p0 [hbm4b:s9+s14], $0x80, v4, vm1, $0xb8;
	[tilespmem:$0x18080] =	vst v63  }
0xb6: {  	s25 =	sor.u32 @p0 $0x6880, s2  }
0xb7: {  	[tilespmem:s25], [sflag:s26] =	stream.indirect_vreg.gather @p0 [hbm4b:s10+s14], $0x80, v4, vm1, $0xb8;
	[tilespmem:$0x18080] =	vst v63  }
0xb8: {  	s25 =	sor.u32 @p0 $0x7080, s2  }
0xb9: {  	[tilespmem:s25], [sflag:s26] =	stream.indirect_vreg.gather @p0 [hbm4b:s11+s14], $0x80, v4, vm1, $0xb8;
	[tilespmem:$0x18080] =	vst v63  }
.Ltmp7:
0xba: {  	s2 =	sor.u32 @p0 $0x7880, s2;
	(pc) =	sbr.rel .LBB2_7-.Ltmp7, $4  }
0xbb: {  	[tilespmem:s2], [sflag:s26] =	stream.indirect_vreg.gather @p0 [hbm4b:s12+s14], $0x80, v4, vm1, $0xb8;
	[tilespmem:$0x18080] =	vst v63  }
0xbc: {  	s2 =	sshll.u32 @!p0 s24, $0xF  }
0xbd: {  	s14 =	sadd.s32 @!p0 $0x1, s24;
	s24 =	simm.s32 @!p0 $0x0;
	s2 =	sor.u32 @!p0 $0x80, s2  }
0xbe: {  	[tilespmem:s2], [sflag:s14] =	stream.linear.gather @!p0 [hbm4b:s29+s24], $0x8000, $0x38;
	[tilespmem:$0x18080] =	vst v63  }
.LBB2_9:
0xbf: {  	_ =	sfence.sel $0x180000  }
0xc0: {  	[bflag:$0x0] =	sbarrier.arrive $0xFFFF  }
0xc1: {  	_ =	strace $0x90000047  }
0xc2: {  	s0 =	stileid.u32;
	[bflag:$0x2] =	sbarrier.arrive $0xFFFF  }
0xc3: {  	p0 =	sne.s32 s0, $0x0;
	s0 =	rddreg [dreg:$0x3]  }
0xc4: {  	s0 =	sadd.s32 @!p0 $0x100000, s0  }
0xc5: {  	[sflag:s0] =	ssyncadd.tile.s32 @!p0 $0x1;
	_ =	shalt  }
.Lfunc_end2:
_tile_overlayer_lowered:
.L_overlay_start_2:
0xc6: {  	(tag) =	ssettag $0x2  }
0xc7: {  	s0 =	rddreg [dreg:$0x0];
	s2 =	stileid.u32  }
0xc8: {  	s1 =	rddreg [dreg:$0x1];
	p0 =	sne.s32 s2, $0x0  }
0xc9: {  	s3 =	rddreg [dreg:$0x2];
	[bflag:$0x3] =	sbarrier.arrive $0xFFFF;
	s2 =	simm.s32 @!p0 $0x1C07  }
0xca: {  	[timem:s3], [sflag:s2] =	dma.local @!p0 [hbm:s0], s1  }
0xcb: {  	s0 =	simm.s32 @!p0 $0x7  }
0xcc: {  	_ =	swait.ge @!p0 [sflag:s0], s1  }
0xcd: {  	s1 =	ssub.s32 @!p0 $0x0, s1;
	[sflag:s0] =	ssyncset.done @!p0 $0x0  }
0xce: {  	[sflag:s0] =	ssyncadd.s32 @!p0 s1  }
0xcf: {  	[bflag:$0x3] =	sbarrier.arrive $0xFFFF  }
0xd0: {  	_ =	shalt  }

</sc_bundles>
